<compile_context>
chip_gen: v7x
topology: tpu7x:2x2x1
jax: 0.10.2.dev20260603
libtpu: 0.0.44.dev20260713+nightly
codegen_flags: <defaults>
</compile_context>

<pallas_src>
import functools

import jax
import jax.numpy as jnp
from jax import lax
from jax.experimental import pallas as pl
from jax.experimental.pallas import tpu as pltpu
from jax.experimental.pallas import tpu_sc as plsc

S, L, V, A = 4, 3, 8, 10
B = 16384
TABLE = S * L * V * A

_info = plsc.get_sparse_core_info()
_NS, _LANES = _info.num_subcores, _info.num_lanes
_NW = _NS
_BPW = B // _NW
_STEPS = _BPW // _LANES


def _body(table_hbm, src_hbm, lab_hbm, vt_hbm, ab_hbm, out_hbm,
          idx_v, src_v, lab_v, vt_v, ab_v, out_v, sem):
    wid = lax.axis_index("s")
    base = wid * _BPW
    c1 = pltpu.async_copy(src_hbm.at[pl.ds(base, _BPW)], src_v, sem)
    c2 = pltpu.async_copy(lab_hbm.at[pl.ds(base, _BPW)], lab_v, sem)
    c3 = pltpu.async_copy(vt_hbm.at[pl.ds(base, _BPW)], vt_v, sem)
    c4 = pltpu.async_copy(ab_hbm.at[pl.ds(base, _BPW)], ab_v, sem)
    c1.wait()
    c2.wait()
    c3.wait()
    c4.wait()

    def step(i, carry):
        off = i * _LANES
        s = src_v[pl.ds(off, _LANES)]
        l = lab_v[pl.ds(off, _LANES)]
        v = vt_v[pl.ds(off, _LANES)]
        a = ab_v[pl.ds(off, _LANES)]
        idx_v[pl.ds(off, _LANES)] = ((s * L + l) * V + v) * A + a
        return carry

    lax.fori_loop(0, _STEPS, step, 0, unroll=8)
    pltpu.async_copy(table_hbm.at[idx_v], out_v, sem).wait()
    pltpu.sync_copy(out_v, out_hbm.at[pl.ds(base, _BPW)])


_balancer = functools.partial(
    pl.kernel,
    out_type=jax.ShapeDtypeStruct((B,), jnp.float32),
    mesh=plsc.VectorSubcoreMesh(core_axis_name="c", subcore_axis_name="s",
                                num_cores=1),
    compiler_params=pltpu.CompilerParams(needs_layout_passes=False),
    scratch_types=[
        pltpu.VMEM((_BPW,), jnp.int32),
        pltpu.VMEM((_BPW,), jnp.int32),
        pltpu.VMEM((_BPW,), jnp.int32),
        pltpu.VMEM((_BPW,), jnp.int32),
        pltpu.VMEM((_BPW,), jnp.int32),
        pltpu.VMEM((_BPW,), jnp.float32),
        pltpu.SemaphoreType.DMA,
    ],
)(_body)


@jax.jit
def kernel(label_balancing_weights_slva, sources, labels, variant_types,
           alt_count_bins):
    table = jnp.reshape(label_balancing_weights_slva, (TABLE,))
    return _balancer(
        table,
        sources.astype(jnp.int32),
        labels.astype(jnp.int32),
        variant_types.astype(jnp.int32),
        alt_count_bins.astype(jnp.int32),
    )

# --- scband reference (transcript-rebuilt; emitter-appended) ---
"""Pipeline reference for scband-balancer-78400333021321 (READ-ONLY COPY).

The authoritative reference and input builder live on the scoring server;
editing this copy changes nothing except your own understanding.
"""

import jax, jax.numpy as jnp
import numpy as np

S, L, V, A = 4, 3, 8, 10
B = 16384
LABEL_VARIANT, LABEL_ARTIFACT, LABEL_UNLABELED = 0, 1, 2


def ratio_with_pseudocount(numerator, denominator):
    return numerator / (denominator + 1.0)


def setup_inputs(seed: int = 0) -> dict:
    key = jax.random.key(seed)
    k1, k2, k3, k4, k5 = jax.random.split(key, 5)
    # Raw dataset count totals per (source, label, variant_type, alt_count_bin)
    totals_slva = jax.random.uniform(k5, (S, L, V, A), dtype=jnp.float32) * 1000.0
    # Replicate the __init__ derivation of label balancing weights
    totals_sva = jnp.sum(totals_slva, axis=1)
    labeled_totals_sva = totals_sva - totals_slva[:, LABEL_UNLABELED, :, :]
    labeled_total = jnp.sum(labeled_totals_sva)
    label_balancing_weights_slva = ratio_with_pseudocount(labeled_totals_sva[:, None, :, :], totals_slva)
    total_weight = jnp.sum(totals_slva * label_balancing_weights_slva)
    total_supervised_weight = total_weight - jnp.sum(
        totals_slva[:, LABEL_UNLABELED, :, :] * label_balancing_weights_slva[:, LABEL_UNLABELED, :, :])
    average_supervised_weight = total_supervised_weight / labeled_total
    label_balancing_weights_slva = label_balancing_weights_slva / average_supervised_weight
    label_balancing_weights_slva = label_balancing_weights_slva.at[:, LABEL_UNLABELED, :, :].set(
        jnp.clip(label_balancing_weights_slva[:, LABEL_UNLABELED, :, :], 0.0, 1.0))

    sources = jax.random.randint(k1, (B,), 0, S, dtype=jnp.int64) if jax.config.jax_enable_x64 else jax.random.randint(k1, (B,), 0, S, dtype=jnp.int32)
    labels = jax.random.randint(k2, (B,), 0, L, dtype=sources.dtype)
    variant_types = jax.random.randint(k3, (B,), 0, V, dtype=sources.dtype)
    alt_count_bins = jax.random.randint(k4, (B,), 0, A, dtype=sources.dtype)
    return {
        'label_balancing_weights_slva': label_balancing_weights_slva,
        'sources': sources,
        'labels': labels,
        'variant_types': variant_types,
        'alt_count_bins': alt_count_bins,
    }


def reference(label_balancing_weights_slva, sources, labels, variant_types, alt_count_bins):
    # calculate_batch_weights: index_4d_array gather
    return label_balancing_weights_slva[sources, labels, variant_types, alt_count_bins]

if __name__ == "__main__":
    import jax
    _d = setup_inputs()
    print(jax.jit(kernel)(*tuple(_d.values())))

</pallas_src>

<mosaic_0001>
#map = affine_map<(d0, d1) -> (0)>
module attributes {stable_mosaic.version = 14 : i64} {
  func.func @_body(%arg0: i32, %arg1: i32, %arg2: memref<960xf32, #tpu.memory_space<hbm>>, %arg3: memref<16384xi32, #tpu.memory_space<hbm>>, %arg4: memref<16384xi32, #tpu.memory_space<hbm>>, %arg5: memref<16384xi32, #tpu.memory_space<hbm>>, %arg6: memref<16384xi32, #tpu.memory_space<hbm>>, %arg7: memref<16384xf32, #tpu.memory_space<hbm>>, %arg8: memref<1024xi32, #tpu.memory_space<vmem>>, %arg9: memref<1024xi32, #tpu.memory_space<vmem>>, %arg10: memref<1024xi32, #tpu.memory_space<vmem>>, %arg11: memref<1024xi32, #tpu.memory_space<vmem>>, %arg12: memref<1024xi32, #tpu.memory_space<vmem>>, %arg13: memref<1024xf32, #tpu.memory_space<vmem>>, %arg14: memref<!tpu.dma_semaphore, #tpu.memory_space<semaphore_mem>>) attributes {dimension_semantics = [#tpu.dimension_semantics<core_parallel>, #tpu.dimension_semantics<subcore_parallel>], iteration_bounds = array<i64: 1, 16>, scalar_prefetch = 0 : i64, scratch_operands = 7 : i64, tpu.core_type = #tpu.core_type<sc_vector_subcore>, window_params = [{transform_indices = #map}, {transform_indices = #map}, {transform_indices = #map}, {transform_indices = #map}, {transform_indices = #map}, {transform_indices = #map}]} {
    %mul3A = arith.constant 1024 : i32
    %mul3A_0 = arith.muli %arg1, %mul3A : i32
    %dma_start3A = tpu.memref_slice %arg3[%mul3A_0] : memref<16384xi32, #tpu.memory_space<hbm>> -> memref<1024xi32, #tpu.memory_space<hbm>>
    %dma_start3A_1 = tpu.memref_slice %arg3[%mul3A_0] : memref<16384xi32, #tpu.memory_space<hbm>> -> memref<1024xi32, #tpu.memory_space<hbm>>
    tpu.enqueue_dma source(%dma_start3A_1 : memref<1024xi32, #tpu.memory_space<hbm>>) target(%arg9 : memref<1024xi32, #tpu.memory_space<vmem>>) target_semaphore(%arg14 : memref<!tpu.dma_semaphore, #tpu.memory_space<semaphore_mem>>)
    %dma_start3A_2 = tpu.memref_slice %arg4[%mul3A_0] : memref<16384xi32, #tpu.memory_space<hbm>> -> memref<1024xi32, #tpu.memory_space<hbm>>
    %dma_start3A_3 = tpu.memref_slice %arg4[%mul3A_0] : memref<16384xi32, #tpu.memory_space<hbm>> -> memref<1024xi32, #tpu.memory_space<hbm>>
    tpu.enqueue_dma source(%dma_start3A_3 : memref<1024xi32, #tpu.memory_space<hbm>>) target(%arg10 : memref<1024xi32, #tpu.memory_space<vmem>>) target_semaphore(%arg14 : memref<!tpu.dma_semaphore, #tpu.memory_space<semaphore_mem>>)
    %dma_start3A_4 = tpu.memref_slice %arg5[%mul3A_0] : memref<16384xi32, #tpu.memory_space<hbm>> -> memref<1024xi32, #tpu.memory_space<hbm>>
    %dma_start3A_5 = tpu.memref_slice %arg5[%mul3A_0] : memref<16384xi32, #tpu.memory_space<hbm>> -> memref<1024xi32, #tpu.memory_space<hbm>>
    tpu.enqueue_dma source(%dma_start3A_5 : memref<1024xi32, #tpu.memory_space<hbm>>) target(%arg11 : memref<1024xi32, #tpu.memory_space<vmem>>) target_semaphore(%arg14 : memref<!tpu.dma_semaphore, #tpu.memory_space<semaphore_mem>>)
    %dma_start3A_6 = tpu.memref_slice %arg6[%mul3A_0] : memref<16384xi32, #tpu.memory_space<hbm>> -> memref<1024xi32, #tpu.memory_space<hbm>>
    %dma_start3A_7 = tpu.memref_slice %arg6[%mul3A_0] : memref<16384xi32, #tpu.memory_space<hbm>> -> memref<1024xi32, #tpu.memory_space<hbm>>
    tpu.enqueue_dma source(%dma_start3A_7 : memref<1024xi32, #tpu.memory_space<hbm>>) target(%arg12 : memref<1024xi32, #tpu.memory_space<vmem>>) target_semaphore(%arg14 : memref<!tpu.dma_semaphore, #tpu.memory_space<semaphore_mem>>)
    %dma_wait3A = tpu.memref_slice %arg3[%mul3A_0] : memref<16384xi32, #tpu.memory_space<hbm>> -> memref<1024xi32, #tpu.memory_space<hbm>>
    %dma_wait3A_8 = tpu.memref_slice %arg3[%mul3A_0] : memref<16384xi32, #tpu.memory_space<hbm>> -> memref<1024xi32, #tpu.memory_space<hbm>>
    tpu.wait_dma2 semaphore(%arg14 : memref<!tpu.dma_semaphore, #tpu.memory_space<semaphore_mem>>) src(%dma_wait3A_8 : memref<1024xi32, #tpu.memory_space<hbm>>) dst(%arg9 : memref<1024xi32, #tpu.memory_space<vmem>>)
    %dma_wait3A_9 = tpu.memref_slice %arg4[%mul3A_0] : memref<16384xi32, #tpu.memory_space<hbm>> -> memref<1024xi32, #tpu.memory_space<hbm>>
    %dma_wait3A_10 = tpu.memref_slice %arg4[%mul3A_0] : memref<16384xi32, #tpu.memory_space<hbm>> -> memref<1024xi32, #tpu.memory_space<hbm>>
    tpu.wait_dma2 semaphore(%arg14 : memref<!tpu.dma_semaphore, #tpu.memory_space<semaphore_mem>>) src(%dma_wait3A_10 : memref<1024xi32, #tpu.memory_space<hbm>>) dst(%arg10 : memref<1024xi32, #tpu.memory_space<vmem>>)
    %dma_wait3A_11 = tpu.memref_slice %arg5[%mul3A_0] : memref<16384xi32, #tpu.memory_space<hbm>> -> memref<1024xi32, #tpu.memory_space<hbm>>
    %dma_wait3A_12 = tpu.memref_slice %arg5[%mul3A_0] : memref<16384xi32, #tpu.memory_space<hbm>> -> memref<1024xi32, #tpu.memory_space<hbm>>
    tpu.wait_dma2 semaphore(%arg14 : memref<!tpu.dma_semaphore, #tpu.memory_space<semaphore_mem>>) src(%dma_wait3A_12 : memref<1024xi32, #tpu.memory_space<hbm>>) dst(%arg11 : memref<1024xi32, #tpu.memory_space<vmem>>)
    %dma_wait3A_13 = tpu.memref_slice %arg6[%mul3A_0] : memref<16384xi32, #tpu.memory_space<hbm>> -> memref<1024xi32, #tpu.memory_space<hbm>>
    %dma_wait3A_14 = tpu.memref_slice %arg6[%mul3A_0] : memref<16384xi32, #tpu.memory_space<hbm>> -> memref<1024xi32, #tpu.memory_space<hbm>>
    tpu.wait_dma2 semaphore(%arg14 : memref<!tpu.dma_semaphore, #tpu.memory_space<semaphore_mem>>) src(%dma_wait3A_14 : memref<1024xi32, #tpu.memory_space<hbm>>) dst(%arg12 : memref<1024xi32, #tpu.memory_space<vmem>>)
    %scan3A = arith.constant 0 : i32
    %scan3A_15 = arith.constant 0 : i32
    %scan3A_16 = arith.constant 64 : i32
    %scan3A_17 = arith.addi %scan3A_15, %scan3A_16 : i32
    %scan3A_18 = arith.constant 8 : i32
    scf.for %scan3A_24 = %scan3A_15 to %scan3A_17 step %scan3A_18  : i32 {
      %mul3A_25 = arith.constant 16 : i32
      %mul3A_26 = arith.muli %scan3A_24, %mul3A_25 : i32
      %get3A = arith.index_cast %mul3A_26 : i32 to index
      %get3A_27 = tpu.vector_load %arg9[%get3A] {strides = array<i32>} : memref<1024xi32, #tpu.memory_space<vmem>>, vector<16xi32>,
      %get3A_28 = arith.index_cast %mul3A_26 : i32 to index
      %get3A_29 = tpu.vector_load %arg10[%get3A_28] {strides = array<i32>} : memref<1024xi32, #tpu.memory_space<vmem>>, vector<16xi32>,
      %get3A_30 = arith.index_cast %mul3A_26 : i32 to index
      %get3A_31 = tpu.vector_load %arg11[%get3A_30] {strides = array<i32>} : memref<1024xi32, #tpu.memory_space<vmem>>, vector<16xi32>,
      %get3A_32 = arith.index_cast %mul3A_26 : i32 to index
      %get3A_33 = tpu.vector_load %arg12[%get3A_32] {strides = array<i32>} : memref<1024xi32, #tpu.memory_space<vmem>>, vector<16xi32>,
      %mul3A_34 = arith.constant 3 : i32
      %mul3A_35 = vector.broadcast %mul3A_34 : i32 to vector<16xi32>
      %mul3A_36 = arith.muli %get3A_27, %mul3A_35 : vector<16xi32>
      %add3A = arith.addi %mul3A_36, %get3A_29 : vector<16xi32>
      %mul3A_37 = arith.constant 8 : i32
      %mul3A_38 = vector.broadcast %mul3A_37 : i32 to vector<16xi32>
      %mul3A_39 = arith.muli %add3A, %mul3A_38 : vector<16xi32>
      %add3A_40 = arith.addi %mul3A_39, %get3A_31 : vector<16xi32>
      %mul3A_41 = arith.constant 10 : i32
      %mul3A_42 = vector.broadcast %mul3A_41 : i32 to vector<16xi32>
      %mul3A_43 = arith.muli %add3A_40, %mul3A_42 : vector<16xi32>
      %add3A_44 = arith.addi %mul3A_43, %get3A_33 : vector<16xi32>
      %swap3A = arith.index_cast %mul3A_26 : i32 to index
      %swap3A_45 = tpu.vector_load %arg8[%swap3A] {strides = array<i32>} : memref<1024xi32, #tpu.memory_space<vmem>>, vector<16xi32>,
      tpu.vector_store %arg8[%swap3A], %add3A_44 {strides = array<i32>} : memref<1024xi32, #tpu.memory_space<vmem>>, vector<16xi32>,
      %scan3A_46 = arith.constant 1 : i32
      %scan3A_47 = arith.addi %scan3A_24, %scan3A_46 : i32
      %mul3A_48 = arith.constant 16 : i32
      %mul3A_49 = arith.muli %scan3A_47, %mul3A_48 : i32
      %get3A_50 = arith.index_cast %mul3A_49 : i32 to index
      %get3A_51 = tpu.vector_load %arg9[%get3A_50] {strides = array<i32>} : memref<1024xi32, #tpu.memory_space<vmem>>, vector<16xi32>,
      %get3A_52 = arith.index_cast %mul3A_49 : i32 to index
      %get3A_53 = tpu.vector_load %arg10[%get3A_52] {strides = array<i32>} : memref<1024xi32, #tpu.memory_space<vmem>>, vector<16xi32>,
      %get3A_54 = arith.index_cast %mul3A_49 : i32 to index
      %get3A_55 = tpu.vector_load %arg11[%get3A_54] {strides = array<i32>} : memref<1024xi32, #tpu.memory_space<vmem>>, vector<16xi32>,
      %get3A_56 = arith.index_cast %mul3A_49 : i32 to index
      %get3A_57 = tpu.vector_load %arg12[%get3A_56] {strides = array<i32>} : memref<1024xi32, #tpu.memory_space<vmem>>, vector<16xi32>,
      %mul3A_58 = arith.constant 3 : i32
      %mul3A_59 = vector.broadcast %mul3A_58 : i32 to vector<16xi32>
      %mul3A_60 = arith.muli %get3A_51, %mul3A_59 : vector<16xi32>
      %add3A_61 = arith.addi %mul3A_60, %get3A_53 : vector<16xi32>
      %mul3A_62 = arith.constant 8 : i32
      %mul3A_63 = vector.broadcast %mul3A_62 : i32 to vector<16xi32>
      %mul3A_64 = arith.muli %add3A_61, %mul3A_63 : vector<16xi32>
      %add3A_65 = arith.addi %mul3A_64, %get3A_55 : vector<16xi32>
      %mul3A_66 = arith.constant 10 : i32
      %mul3A_67 = vector.broadcast %mul3A_66 : i32 to vector<16xi32>
      %mul3A_68 = arith.muli %add3A_65, %mul3A_67 : vector<16xi32>
      %add3A_69 = arith.addi %mul3A_68, %get3A_57 : vector<16xi32>
      %swap3A_70 = arith.index_cast %mul3A_49 : i32 to index
      %swap3A_71 = tpu.vector_load %arg8[%swap3A_70] {strides = array<i32>} : memref<1024xi32, #tpu.memory_space<vmem>>, vector<16xi32>,
      tpu.vector_store %arg8[%swap3A_70], %add3A_69 {strides = array<i32>} : memref<1024xi32, #tpu.memory_space<vmem>>, vector<16xi32>,
      %scan3A_72 = arith.constant 2 : i32
      %scan3A_73 = arith.addi %scan3A_24, %scan3A_72 : i32
      %mul3A_74 = arith.constant 16 : i32
      %mul3A_75 = arith.muli %scan3A_73, %mul3A_74 : i32
      %get3A_76 = arith.index_cast %mul3A_75 : i32 to index
      %get3A_77 = tpu.vector_load %arg9[%get3A_76] {strides = array<i32>} : memref<1024xi32, #tpu.memory_space<vmem>>, vector<16xi32>,
      %get3A_78 = arith.index_cast %mul3A_75 : i32 to index
      %get3A_79 = tpu.vector_load %arg10[%get3A_78] {strides = array<i32>} : memref<1024xi32, #tpu.memory_space<vmem>>, vector<16xi32>,
      %get3A_80 = arith.index_cast %mul3A_75 : i32 to index
      %get3A_81 = tpu.vector_load %arg11[%get3A_80] {strides = array<i32>} : memref<1024xi32, #tpu.memory_space<vmem>>, vector<16xi32>,
      %get3A_82 = arith.index_cast %mul3A_75 : i32 to index
      %get3A_83 = tpu.vector_load %arg12[%get3A_82] {strides = array<i32>} : memref<1024xi32, #tpu.memory_space<vmem>>, vector<16xi32>,
      %mul3A_84 = arith.constant 3 : i32
      %mul3A_85 = vector.broadcast %mul3A_84 : i32 to vector<16xi32>
      %mul3A_86 = arith.muli %get3A_77, %mul3A_85 : vector<16xi32>
      %add3A_87 = arith.addi %mul3A_86, %get3A_79 : vector<16xi32>
      %mul3A_88 = arith.constant 8 : i32
      %mul3A_89 = vector.broadcast %mul3A_88 : i32 to vector<16xi32>
      %mul3A_90 = arith.muli %add3A_87, %mul3A_89 : vector<16xi32>
      %add3A_91 = arith.addi %mul3A_90, %get3A_81 : vector<16xi32>
      %mul3A_92 = arith.constant 10 : i32
      %mul3A_93 = vector.broadcast %mul3A_92 : i32 to vector<16xi32>
      %mul3A_94 = arith.muli %add3A_91, %mul3A_93 : vector<16xi32>
      %add3A_95 = arith.addi %mul3A_94, %get3A_83 : vector<16xi32>
      %swap3A_96 = arith.index_cast %mul3A_75 : i32 to index
      %swap3A_97 = tpu.vector_load %arg8[%swap3A_96] {strides = array<i32>} : memref<1024xi32, #tpu.memory_space<vmem>>, vector<16xi32>,
      tpu.vector_store %arg8[%swap3A_96], %add3A_95 {strides = array<i32>} : memref<1024xi32, #tpu.memory_space<vmem>>, vector<16xi32>,
      %scan3A_98 = arith.constant 3 : i32
      %scan3A_99 = arith.addi %scan3A_24, %scan3A_98 : i32
      %mul3A_100 = arith.constant 16 : i32
      %mul3A_101 = arith.muli %scan3A_99, %mul3A_100 : i32
      %get3A_102 = arith.index_cast %mul3A_101 : i32 to index
      %get3A_103 = tpu.vector_load %arg9[%get3A_102] {strides = array<i32>} : memref<1024xi32, #tpu.memory_space<vmem>>, vector<16xi32>,
      %get3A_104 = arith.index_cast %mul3A_101 : i32 to index
      %get3A_105 = tpu.vector_load %arg10[%get3A_104] {strides = array<i32>} : memref<1024xi32, #tpu.memory_space<vmem>>, vector<16xi32>,
      %get3A_106 = arith.index_cast %mul3A_101 : i32 to index
      %get3A_107 = tpu.vector_load %arg11[%get3A_106] {strides = array<i32>} : memref<1024xi32, #tpu.memory_space<vmem>>, vector<16xi32>,
      %get3A_108 = arith.index_cast %mul3A_101 : i32 to index
      %get3A_109 = tpu.vector_load %arg12[%get3A_108] {strides = array<i32>} : memref<1024xi32, #tpu.memory_space<vmem>>, vector<16xi32>,
      %mul3A_110 = arith.constant 3 : i32
      %mul3A_111 = vector.broadcast %mul3A_110 : i32 to vector<16xi32>
      %mul3A_112 = arith.muli %get3A_103, %mul3A_111 : vector<16xi32>
      %add3A_113 = arith.addi %mul3A_112, %get3A_105 : vector<16xi32>
      %mul3A_114 = arith.constant 8 : i32
      %mul3A_115 = vector.broadcast %mul3A_114 : i32 to vector<16xi32>
      %mul3A_116 = arith.muli %add3A_113, %mul3A_115 : vector<16xi32>
      %add3A_117 = arith.addi %mul3A_116, %get3A_107 : vector<16xi32>
      %mul3A_118 = arith.constant 10 : i32
      %mul3A_119 = vector.broadcast %mul3A_118 : i32 to vector<16xi32>
      %mul3A_120 = arith.muli %add3A_117, %mul3A_119 : vector<16xi32>
      %add3A_121 = arith.addi %mul3A_120, %get3A_109 : vector<16xi32>
      %swap3A_122 = arith.index_cast %mul3A_101 : i32 to index
      %swap3A_123 = tpu.vector_load %arg8[%swap3A_122] {strides = array<i32>} : memref<1024xi32, #tpu.memory_space<vmem>>, vector<16xi32>,
      tpu.vector_store %arg8[%swap3A_122], %add3A_121 {strides = array<i32>} : memref<1024xi32, #tpu.memory_space<vmem>>, vector<16xi32>,
      %scan3A_124 = arith.constant 4 : i32
      %scan3A_125 = arith.addi %scan3A_24, %scan3A_124 : i32
      %mul3A_126 = arith.constant 16 : i32
      %mul3A_127 = arith.muli %scan3A_125, %mul3A_126 : i32
      %get3A_128 = arith.index_cast %mul3A_127 : i32 to index
      %get3A_129 = tpu.vector_load %arg9[%get3A_128] {strides = array<i32>} : memref<1024xi32, #tpu.memory_space<vmem>>, vector<16xi32>,
      %get3A_130 = arith.index_cast %mul3A_127 : i32 to index
      %get3A_131 = tpu.vector_load %arg10[%get3A_130] {strides = array<i32>} : memref<1024xi32, #tpu.memory_space<vmem>>, vector<16xi32>,
      %get3A_132 = arith.index_cast %mul3A_127 : i32 to index
      %get3A_133 = tpu.vector_load %arg11[%get3A_132] {strides = array<i32>} : memref<1024xi32, #tpu.memory_space<vmem>>, vector<16xi32>,
      %get3A_134 = arith.index_cast %mul3A_127 : i32 to index
      %get3A_135 = tpu.vector_load %arg12[%get3A_134] {strides = array<i32>} : memref<1024xi32, #tpu.memory_space<vmem>>, vector<16xi32>,
      %mul3A_136 = arith.constant 3 : i32
      %mul3A_137 = vector.broadcast %mul3A_136 : i32 to vector<16xi32>
      %mul3A_138 = arith.muli %get3A_129, %mul3A_137 : vector<16xi32>
      %add3A_139 = arith.addi %mul3A_138, %get3A_131 : vector<16xi32>
      %mul3A_140 = arith.constant 8 : i32
      %mul3A_141 = vector.broadcast %mul3A_140 : i32 to vector<16xi32>
      %mul3A_142 = arith.muli %add3A_139, %mul3A_141 : vector<16xi32>
      %add3A_143 = arith.addi %mul3A_142, %get3A_133 : vector<16xi32>
      %mul3A_144 = arith.constant 10 : i32
      %mul3A_145 = vector.broadcast %mul3A_144 : i32 to vector<16xi32>
      %mul3A_146 = arith.muli %add3A_143, %mul3A_145 : vector<16xi32>
      %add3A_147 = arith.addi %mul3A_146, %get3A_135 : vector<16xi32>
      %swap3A_148 = arith.index_cast %mul3A_127 : i32 to index
      %swap3A_149 = tpu.vector_load %arg8[%swap3A_148] {strides = array<i32>} : memref<1024xi32, #tpu.memory_space<vmem>>, vector<16xi32>,
      tpu.vector_store %arg8[%swap3A_148], %add3A_147 {strides = array<i32>} : memref<1024xi32, #tpu.memory_space<vmem>>, vector<16xi32>,
      %scan3A_150 = arith.constant 5 : i32
      %scan3A_151 = arith.addi %scan3A_24, %scan3A_150 : i32
      %mul3A_152 = arith.constant 16 : i32
      %mul3A_153 = arith.muli %scan3A_151, %mul3A_152 : i32
      %get3A_154 = arith.index_cast %mul3A_153 : i32 to index
      %get3A_155 = tpu.vector_load %arg9[%get3A_154] {strides = array<i32>} : memref<1024xi32, #tpu.memory_space<vmem>>, vector<16xi32>,
      %get3A_156 = arith.index_cast %mul3A_153 : i32 to index
      %get3A_157 = tpu.vector_load %arg10[%get3A_156] {strides = array<i32>} : memref<1024xi32, #tpu.memory_space<vmem>>, vector<16xi32>,
      %get3A_158 = arith.index_cast %mul3A_153 : i32 to index
      %get3A_159 = tpu.vector_load %arg11[%get3A_158] {strides = array<i32>} : memref<1024xi32, #tpu.memory_space<vmem>>, vector<16xi32>,
      %get3A_160 = arith.index_cast %mul3A_153 : i32 to index
      %get3A_161 = tpu.vector_load %arg12[%get3A_160] {strides = array<i32>} : memref<1024xi32, #tpu.memory_space<vmem>>, vector<16xi32>,
      %mul3A_162 = arith.constant 3 : i32
      %mul3A_163 = vector.broadcast %mul3A_162 : i32 to vector<16xi32>
      %mul3A_164 = arith.muli %get3A_155, %mul3A_163 : vector<16xi32>
      %add3A_165 = arith.addi %mul3A_164, %get3A_157 : vector<16xi32>
      %mul3A_166 = arith.constant 8 : i32
      %mul3A_167 = vector.broadcast %mul3A_166 : i32 to vector<16xi32>
      %mul3A_168 = arith.muli %add3A_165, %mul3A_167 : vector<16xi32>
      %add3A_169 = arith.addi %mul3A_168, %get3A_159 : vector<16xi32>
      %mul3A_170 = arith.constant 10 : i32
      %mul3A_171 = vector.broadcast %mul3A_170 : i32 to vector<16xi32>
      %mul3A_172 = arith.muli %add3A_169, %mul3A_171 : vector<16xi32>
      %add3A_173 = arith.addi %mul3A_172, %get3A_161 : vector<16xi32>
      %swap3A_174 = arith.index_cast %mul3A_153 : i32 to index
      %swap3A_175 = tpu.vector_load %arg8[%swap3A_174] {strides = array<i32>} : memref<1024xi32, #tpu.memory_space<vmem>>, vector<16xi32>,
      tpu.vector_store %arg8[%swap3A_174], %add3A_173 {strides = array<i32>} : memref<1024xi32, #tpu.memory_space<vmem>>, vector<16xi32>,
      %scan3A_176 = arith.constant 6 : i32
      %scan3A_177 = arith.addi %scan3A_24, %scan3A_176 : i32
      %mul3A_178 = arith.constant 16 : i32
      %mul3A_179 = arith.muli %scan3A_177, %mul3A_178 : i32
      %get3A_180 = arith.index_cast %mul3A_179 : i32 to index
      %get3A_181 = tpu.vector_load %arg9[%get3A_180] {strides = array<i32>} : memref<1024xi32, #tpu.memory_space<vmem>>, vector<16xi32>,
      %get3A_182 = arith.index_cast %mul3A_179 : i32 to index
      %get3A_183 = tpu.vector_load %arg10[%get3A_182] {strides = array<i32>} : memref<1024xi32, #tpu.memory_space<vmem>>, vector<16xi32>,
      %get3A_184 = arith.index_cast %mul3A_179 : i32 to index
      %get3A_185 = tpu.vector_load %arg11[%get3A_184] {strides = array<i32>} : memref<1024xi32, #tpu.memory_space<vmem>>, vector<16xi32>,
      %get3A_186 = arith.index_cast %mul3A_179 : i32 to index
      %get3A_187 = tpu.vector_load %arg12[%get3A_186] {strides = array<i32>} : memref<1024xi32, #tpu.memory_space<vmem>>, vector<16xi32>,
      %mul3A_188 = arith.constant 3 : i32
      %mul3A_189 = vector.broadcast %mul3A_188 : i32 to vector<16xi32>
      %mul3A_190 = arith.muli %get3A_181, %mul3A_189 : vector<16xi32>
      %add3A_191 = arith.addi %mul3A_190, %get3A_183 : vector<16xi32>
      %mul3A_192 = arith.constant 8 : i32
      %mul3A_193 = vector.broadcast %mul3A_192 : i32 to vector<16xi32>
      %mul3A_194 = arith.muli %add3A_191, %mul3A_193 : vector<16xi32>
      %add3A_195 = arith.addi %mul3A_194, %get3A_185 : vector<16xi32>
      %mul3A_196 = arith.constant 10 : i32
      %mul3A_197 = vector.broadcast %mul3A_196 : i32 to vector<16xi32>
      %mul3A_198 = arith.muli %add3A_195, %mul3A_197 : vector<16xi32>
      %add3A_199 = arith.addi %mul3A_198, %get3A_187 : vector<16xi32>
      %swap3A_200 = arith.index_cast %mul3A_179 : i32 to index
      %swap3A_201 = tpu.vector_load %arg8[%swap3A_200] {strides = array<i32>} : memref<1024xi32, #tpu.memory_space<vmem>>, vector<16xi32>,
      tpu.vector_store %arg8[%swap3A_200], %add3A_199 {strides = array<i32>} : memref<1024xi32, #tpu.memory_space<vmem>>, vector<16xi32>,
      %scan3A_202 = arith.constant 7 : i32
      %scan3A_203 = arith.addi %scan3A_24, %scan3A_202 : i32
      %mul3A_204 = arith.constant 16 : i32
      %mul3A_205 = arith.muli %scan3A_203, %mul3A_204 : i32
      %get3A_206 = arith.index_cast %mul3A_205 : i32 to index
      %get3A_207 = tpu.vector_load %arg9[%get3A_206] {strides = array<i32>} : memref<1024xi32, #tpu.memory_space<vmem>>, vector<16xi32>,
      %get3A_208 = arith.index_cast %mul3A_205 : i32 to index
      %get3A_209 = tpu.vector_load %arg10[%get3A_208] {strides = array<i32>} : memref<1024xi32, #tpu.memory_space<vmem>>, vector<16xi32>,
      %get3A_210 = arith.index_cast %mul3A_205 : i32 to index
      %get3A_211 = tpu.vector_load %arg11[%get3A_210] {strides = array<i32>} : memref<1024xi32, #tpu.memory_space<vmem>>, vector<16xi32>,
      %get3A_212 = arith.index_cast %mul3A_205 : i32 to index
      %get3A_213 = tpu.vector_load %arg12[%get3A_212] {strides = array<i32>} : memref<1024xi32, #tpu.memory_space<vmem>>, vector<16xi32>,
      %mul3A_214 = arith.constant 3 : i32
      %mul3A_215 = vector.broadcast %mul3A_214 : i32 to vector<16xi32>
      %mul3A_216 = arith.muli %get3A_207, %mul3A_215 : vector<16xi32>
      %add3A_217 = arith.addi %mul3A_216, %get3A_209 : vector<16xi32>
      %mul3A_218 = arith.constant 8 : i32
      %mul3A_219 = vector.broadcast %mul3A_218 : i32 to vector<16xi32>
      %mul3A_220 = arith.muli %add3A_217, %mul3A_219 : vector<16xi32>
      %add3A_221 = arith.addi %mul3A_220, %get3A_211 : vector<16xi32>
      %mul3A_222 = arith.constant 10 : i32
      %mul3A_223 = vector.broadcast %mul3A_222 : i32 to vector<16xi32>
      %mul3A_224 = arith.muli %add3A_221, %mul3A_223 : vector<16xi32>
      %add3A_225 = arith.addi %mul3A_224, %get3A_213 : vector<16xi32>
      %swap3A_226 = arith.index_cast %mul3A_205 : i32 to index
      %swap3A_227 = tpu.vector_load %arg8[%swap3A_226] {strides = array<i32>} : memref<1024xi32, #tpu.memory_space<vmem>>, vector<16xi32>,
      tpu.vector_store %arg8[%swap3A_226], %add3A_225 {strides = array<i32>} : memref<1024xi32, #tpu.memory_space<vmem>>, vector<16xi32>,
    }
    %scan3A_19 = arith.constant 64 : i32
    %dma_start3A_20 = arith.constant 0 : i32
    %dma_start3A_21 = tpu.memref_slice %arg2[%dma_start3A_20] : memref<960xf32, #tpu.memory_space<hbm>> -> memref<960xf32, #tpu.memory_space<hbm>>
    tpu.enqueue_indirect_dma source(%dma_start3A_21 : memref<960xf32, #tpu.memory_space<hbm>>) target(%arg13 : memref<1024xf32, #tpu.memory_space<vmem>>) offsets(%arg8 : memref<1024xi32, #tpu.memory_space<vmem>>) semaphore(%arg14 : memref<!tpu.dma_semaphore, #tpu.memory_space<semaphore_mem>>)
    %dma_wait3A_22 = arith.constant 0 : i32
    %dma_wait3A_23 = tpu.memref_slice %arg2[%dma_wait3A_22] : memref<960xf32, #tpu.memory_space<hbm>> -> memref<960xf32, #tpu.memory_space<hbm>>
    tpu.wait_indirect_dma semaphore(%arg14 : memref<!tpu.dma_semaphore, #tpu.memory_space<semaphore_mem>>) src(%dma_wait3A_23 : memref<960xf32, #tpu.memory_space<hbm>>) dst(%arg13 : memref<1024xf32, #tpu.memory_space<vmem>>)
    "tpu.region"() ({
      %run_scoped3A = tpu.sem_alloc : memref<!tpu.dma_semaphore, #tpu.memory_space<semaphore_mem>>
      %dma_start3A_24 = tpu.memref_slice %arg7[%mul3A_0] : memref<16384xf32, #tpu.memory_space<hbm>> -> memref<1024xf32, #tpu.memory_space<hbm>>
      %dma_start3A_25 = tpu.memref_slice %arg7[%mul3A_0] : memref<16384xf32, #tpu.memory_space<hbm>> -> memref<1024xf32, #tpu.memory_space<hbm>>
      tpu.enqueue_dma source(%arg13 : memref<1024xf32, #tpu.memory_space<vmem>>) target(%dma_start3A_25 : memref<1024xf32, #tpu.memory_space<hbm>>) target_semaphore(%run_scoped3A : memref<!tpu.dma_semaphore, #tpu.memory_space<semaphore_mem>>)
      %dma_wait3A_26 = tpu.memref_slice %arg7[%mul3A_0] : memref<16384xf32, #tpu.memory_space<hbm>> -> memref<1024xf32, #tpu.memory_space<hbm>>
      %dma_wait3A_27 = tpu.memref_slice %arg7[%mul3A_0] : memref<16384xf32, #tpu.memory_space<hbm>> -> memref<1024xf32, #tpu.memory_space<hbm>>
      tpu.wait_dma2 semaphore(%run_scoped3A : memref<!tpu.dma_semaphore, #tpu.memory_space<semaphore_mem>>) src(%arg13 : memref<1024xf32, #tpu.memory_space<vmem>>) dst(%dma_wait3A_27 : memref<1024xf32, #tpu.memory_space<hbm>>)
      tpu.yield
    }) : () -> ()
    return
  }
}

</mosaic_0001>

<sc_bundles>
// kernel: kernel.3.cloned.1.call-start
scs
__scs_entry_jumppad:
0x0: {  	(pc) =	sbr.rel $0x88, $3  }
0x1: {  	(tag) =	ssettag $0x0;
	lr =	simm.s32 $0x1  }
0x2: {  	[smem:$0x3F9C] =	sst lr;
	_ =	strace $0xD0000000  }
0x3: {  	_ = 	snop  }
0x4: {  	_ = 	snop  }
0x5: {  	_ = 	snop  }
0x6: {  	_ = 	snop  }
0x7: {  	_ = 	snop  }
__scs_overlays_trampoline_lowered:
0x8: {  	[smem:$0x3FAB] =	sst s0  }
0x9: {  	[smem:$0x3FAC] =	sst s1  }
0xa: {  	[smem:$0x3FAD] =	sst s2  }
0xb: {  	[smem:$0x3FAE] =	sst s3  }
0xc: {  	[smem:$0x3FAF] =	sst s4  }
0xd: {  	[smem:$0x3FB0] =	sst s5  }
0xe: {  	[smem:$0x3FB1] =	sst s6  }
0xf: {  	[smem:$0x3FB2] =	sst s7  }
0x10: {  	[smem:$0x3FB3] =	sst s8  }
0x11: {  	[smem:$0x3FB4] =	sst s9;
	s0 =	simm.s32 @!p0 $0x0  }
0x12: {  	s1 =	sld [smem:$0x3F9A];
	s0 =	simm.s32 @p0 $0x1  }
0x13: {  	[smem:$0x3FB5] =	sst s0;
	s0 =	simm.s32 @!p1 $0x0  }
0x14: {  	s2 =	sld [smem:$0x3F99];
	s0 =	simm.s32 @p1 $0x1  }
0x15: {  	[smem:$0x3FB6] =	sst s0;
	s0 =	simm.s32 @!p2 $0x0  }
0x16: {  	s3 =	sld [smem:$0x3FDB];
	s0 =	simm.s32 @p2 $0x1  }
0x17: {  	s4 =	simm.s32 $0x1BF5;
	[smem:$0x3FB8] =	sst s0  }
0x18: {  	s0 =	sld [smem:$0x3F9B];
	_ =	swait.ge [sflag:s4], $0x0  }
0x19: {  	s7 =	sld [smem:$0x3F9C]  }
0x1a: {  	s8 =	sadd.s32 $0xFFFFE003, lr  }
0x1b: {  	s9 =	sadd.s32 $0xFFFFFEF7, lr;
	s5 =	simm.s32 $0xFFFFFFFF;
	p2 =	slt.u32 s8, $0xFFFFF086  }
0x1c: {  	p1 =	slt.u32 s9, $0xF7A;
	s5 =	simm.s32 @!p2 $0x0  }
0x1d: {  	s5 =	simm.s32 @p1 $0x1;
	p0 =	seq.s32 s7, s2  }
0x1e: {  	s7 =	smul.u32 @!p0 $0xF7A, s2;
	p2 =	seq.s32 @!p0 s5, $0x0  }
0x1f: {  	s9 =	smul.u32 $0xF7A, s1;
	s8 =	simm.s32 @!p0 $0x1BF5;
	p2 =	por !p2, p0  }
0x20: {  	[sflag:s8] =	ssyncset.s32 @!p0 $0xFFFFF086;
	s6 =	sadd.s32 @!p0 s3, s7;
	s7 =	simm.s32 @!p0 $0x108  }
0x21: {  	s3 =	sadd.s32 s3, s9;
	s6 =	sadd.s32 @!p0 $0x88, s6;
	s7 =	simm.s32 @p2 $0x1082  }
0x22: {  	[simem:s7], [sflag:s8] =	dma.local @!p0 [hbm:s6], $0xF7A  }
0x23: {  	s9 =	sor.u32 $0xD0000000, s2;
	s6 =	simm.s32 $0x108;
	_ =	swait.ge @!p0 [sflag:s8], $0x0  }
0x24: {  	s3 =	sadd.s32 $0x88, s3;
	s6 =	simm.s32 @!p1 $0x1082;
	[sflag:s4] =	ssyncset.s32 $0xFFFFF086  }
0x25: {  	[simem:s6], [sflag:s4] =	dma.local [hbm:s3], $0xF7A  }
0x26: {  	[smem:$0x3F9C] =	sst s1;
	(tag) =	ssettag s2;
	_ =	strace s9  }
0x27: {  	s1 =	sld [smem:$0x3FAC]  }
0x28: {  	s2 =	sld [smem:$0x3FAD]  }
0x29: {  	s4 =	sld [smem:$0x3FAF]  }
0x2a: {  	p0 =	seq.s32 s5, $0x0;
	s5 =	sld [smem:$0x3FB0]  }
0x2b: {  	s6 =	sld [smem:$0x3FB1]  }
0x2c: {  	s7 =	sld [smem:$0x3FB2]  }
0x2d: {  	s3 =	simm.s32 $0x108;
	s8 =	sld [smem:$0x3FB3]  }
0x2e: {  	s3 =	simm.s32 @!p0 $0x1082;
	s9 =	sld [smem:$0x3FB4]  }
0x2f: {  	lr =	sadd.s32 s0, s3;
	s0 =	sld [smem:$0x3FAB]  }
0x30: {  	s3 =	sld [smem:$0x3FAE]  }
0x31: {  	[smem:$0x3FB7] =	sst s10  }
0x32: {  	s10 =	sld [smem:$0x3FB5];
	_ =	sdelay $0x3  }
0x33: {  	p0 =	seq.s32 s10, $0x1;
	s10 =	sld [smem:$0x3FB7];
	_ =	sdelay $0x3  }
0x34: {  	[smem:$0x3FB7] =	sst s10  }
0x35: {  	s10 =	sld [smem:$0x3FB6];
	_ =	sdelay $0x3  }
0x36: {  	p1 =	seq.s32 s10, $0x1;
	s10 =	sld [smem:$0x3FB7];
	_ =	sdelay $0x3  }
0x37: {  	[smem:$0x3FB7] =	sst s10  }
0x38: {  	s10 =	sld [smem:$0x3FB8]  }
0x39: {  	_ = 	snop;
	(pc) =	sbr.ind lr, $3  }
0x3a: {  	_ = 	snop  }
0x3b: {  	_ = 	snop  }
0x3c: {  	p2 =	seq.s32 s10, $0x1;
	s10 =	sld [smem:$0x3FB7]  }
0x3d: {  	_ =	shalt  }
0x3e: {  	_ =	shalt  }
0x3f: {  	_ =	shalt  }
0x40: {  	_ =	shalt  }
0x41: {  	_ =	shalt  }
0x42: {  	_ =	shalt  }
0x43: {  	_ =	shalt  }
0x44: {  	_ =	shalt  }
0x45: {  	_ =	shalt  }
0x46: {  	_ =	shalt  }
0x47: {  	_ =	shalt  }
0x48: {  	_ =	shalt  }
0x49: {  	_ =	shalt  }
0x4a: {  	_ =	shalt  }
0x4b: {  	_ =	shalt  }
0x4c: {  	_ =	shalt  }
0x4d: {  	_ =	shalt  }
0x4e: {  	_ =	shalt  }
0x4f: {  	_ =	shalt  }
0x50: {  	_ =	shalt  }
0x51: {  	_ =	shalt  }
0x52: {  	_ =	shalt  }
0x53: {  	_ =	shalt  }
0x54: {  	_ =	shalt  }
0x55: {  	_ =	shalt  }
0x56: {  	_ =	shalt  }
0x57: {  	_ =	shalt  }
0x58: {  	_ =	shalt  }
0x59: {  	_ =	shalt  }
0x5a: {  	_ =	shalt  }
0x5b: {  	_ =	shalt  }
0x5c: {  	_ =	shalt  }
0x5d: {  	_ =	shalt  }
0x5e: {  	_ =	shalt  }
0x5f: {  	_ =	shalt  }
0x60: {  	_ =	shalt  }
0x61: {  	_ =	shalt  }
0x62: {  	_ =	shalt  }
0x63: {  	_ =	shalt  }
0x64: {  	_ =	shalt  }
0x65: {  	_ =	shalt  }
0x66: {  	_ =	shalt  }
0x67: {  	_ =	shalt  }
0x68: {  	_ =	shalt  }
0x69: {  	_ =	shalt  }
0x6a: {  	_ =	shalt  }
0x6b: {  	_ =	shalt  }
0x6c: {  	_ =	shalt  }
0x6d: {  	_ =	shalt  }
0x6e: {  	_ =	shalt  }
0x6f: {  	_ =	shalt  }
0x70: {  	_ =	shalt  }
0x71: {  	_ =	shalt  }
0x72: {  	_ =	shalt  }
0x73: {  	_ =	shalt  }
0x74: {  	_ =	shalt  }
0x75: {  	_ =	shalt  }
0x76: {  	_ =	shalt  }
0x77: {  	_ =	shalt  }
0x78: {  	_ =	shalt  }
0x79: {  	_ =	shalt  }
0x7a: {  	_ =	shalt  }
0x7b: {  	_ =	shalt  }
0x7c: {  	_ =	shalt  }
0x7d: {  	_ =	shalt  }
0x7e: {  	_ =	shalt  }
0x7f: {  	_ =	shalt  }
0x80: {  	_ =	shalt  }
0x81: {  	_ =	shalt  }
0x82: {  	_ =	shalt  }
0x83: {  	_ =	shalt  }
0x84: {  	_ =	shalt  }
0x85: {  	_ =	shalt  }
0x86: {  	_ =	shalt  }
0x87: {  	_ =	shalt  }
.Lfunc_end0:
.L_simem_size_0:
called_computation_lowered:
.L_overlay_start_0:
0x88: {  	s0 =	sld [smem:$0x3FD9]  }
0x89: {  	s1 =	sld [smem:$0x3FFE];
	_ =	sdelay $0x3  }
0x8a: {  	s0 =	sadd.s32 s1, s0  }
0x8b: {  	[smem:$0x3FC3] =	sst s0  }
0x8c: {  	_ = 	snop  }
0x8d: {  	s0 =	sld [smem:$0x3FC8]  }
0x8e: {  	s16 =	sld [smem:$0x3FC7]  }
0x8f: {  	s2 =	sld [smem:$0x3FC6]  }
0x90: {  	s3 =	sld [smem:$0x3FC5]  }
0x91: {  	s4 =	sld [smem:$0x3FD0];
	(tm) =	ssettm $0x1  }
0x92: {  	s5 =	sld [smem:$0x3FFB];
	_ =	sdelay $0x3  }
0x93: {  	_ =	strace s5  }
0x94: {  	s5 =	sld [smem:$0x3FFC];
	_ =	sdelay $0x3  }
0x95: {  	_ =	strace s5  }
0x96: {  	s5 =	sld [smem:$0x3FFD];
	_ =	sdelay $0x3  }
0x97: {  	_ =	strace s5  }
0x98: {  	_ =	strace $0x8FFFFFFF  }
0x99: {  	s17 =	sld [smem:$0x3FDB];
	_ =	sdelay $0x1  }
0x9a: {  	s6 =	simm.s32 $_scs_section_size  }
0x9b: {  	s7 =	simm.s32 $_size__tile_overlayer_lowered;
	s8 =	simm.s32 $_tile_overlayer_lowered  }
0x9c: {  	s20 =	simm.s32 $0x1BFF;
	s19 =	sshll.u32 s8, $0x1;
	s5 =	sadd.s32 s6, s17  }
0x9d: {  	s9 =	simm.s32 $0x0;
	s18 =	sshll.u32 s7, $0x1;
	s7 =	sadd.s32 s19, s5  }
0x9e: {  	[timem:s9], [sflag:s20] =	dma.local [hbm:s7], s18  }
0x9f: {  	_ =	swait.ge [sflag:s20], s18  }
0xa0: {  	s6 =	ssub.s32 $0x0, s18;
	[sflag:s20] =	ssyncset.done $0x0  }
0xa1: {  	[sflag:s20] =	ssyncadd.s32 s6;
	_ =	sdelay $0x1  }
0xa2: {  	s21 =	simm.s32 $0x1B8B  }
0xa3: {  	_ =	swait.ge [sflag:s21], $0x1  }
0xa4: {  	[sflag:s21] =	ssyncset.done $0x0  }
0xa5: {  	s23 =	simm.s32 $0x1B8E;
	s22 =	sld [smem:$0x3FFE];
	[sflag:s21] =	ssyncadd.s32 $0xFFFFFFFF  }
0xa6: {  	s24 =	simm.s32 $execute0_lowered;
	[smem:$0x3FD2] =	sst s23  }
0xa7: {  	s7 =	sshll.u32 s24, $0x1;
	_ =	strace $0x80000046;
	[dreg:$0x1] =	wrdreg $0xFFFFFFFF  }
0xa8: {  	s25 =	simm.s32 $_size_execute0_lowered;
	s5 =	sadd.s32 s5, s7;
	[dreg:$0x0] =	wrdreg $0x0  }
0xa9: {  	s7 =	sshll.u32 s25, $0x1;
	[dreg:$0x2] =	wrdreg s5  }
0xaa: {  	[dreg:$0x3] =	wrdreg s7  }
0xab: {  	[dreg:$0x4] =	wrdreg $0xC0  }
0xac: {  	_ =	task [dreg:s9], $0x5FFFF  }
0xad: {  	[dreg:$0x1] =	wrdreg $0xFFFFFFFF  }
0xae: {  	[dreg:$0x0] =	wrdreg $0x60  }
0xaf: {  	[dreg:$0x2] =	wrdreg s22  }
0xb0: {  	[dreg:$0x3] =	wrdreg s0  }
0xb1: {  	[dreg:$0x4] =	wrdreg s16  }
0xb2: {  	[dreg:$0x5] =	wrdreg s2  }
0xb3: {  	[dreg:$0x6] =	wrdreg s3  }
0xb4: {  	[dreg:$0x7] =	wrdreg s4  }
0xb5: {  	[dreg:$0x8] =	wrdreg $0x9  }
0xb6: {  	_ =	task.clear_ibuf [dreg:s9], $0x9FFFF;
	_ =	strace $0x90000046  }
0xb7: {  	s26 =	simm.s32 $0x9;
	_ =	strace $0x80000048  }
0xb8: {  	_ =	swait.ge [sflag:s26], $0x1  }
0xb9: {  	[sflag:s26] =	ssyncadd.s32 $0xFFFFFFFF  }
0xba: {  	_ =	strace $0x90000048  }
0xbb: {  	_ =	sfence  }
0xbc: {  	s28 =	sld [smem:$0x0];
	_ =	sdelay $0x1  }
0xbd: {  	s29 =	srdreg.scid  }
0xbe: {  	s30 =	sshll.u32 s29, $0xD;
	s31 =	sshrl.u32 s29, $0x2  }
0xbf: {  	s1 =	sand.u32 $0x1, s29;
	s2 =	sand.u32 $0x4000, s30;
	s0 =	sadd.s32 s31, s28  }
0xc0: {  	s1 =	sor.u32 s2, s1;
	s0 =	sshll.u32 s0, $0x11  }
0xc1: {  	s0 =	sor.u32 s0, s1  }
0xc2: {  	s0 =	sadd.s32 $0x8F2B, s0  }
0xc3: {  	[sflag:s0] =	ssyncadd.remote.s32 $0x1  }
0xc4: {  	_ =	sfence.sel $0xFFFF  }
0xc5: {  	[dreg:$0x0] =	wrdreg $0xFFFFFFFF;
	(pc) =	sbr.abs _section_cstart, $3  }
0xc6: {  	[dreg:$0x1] =	wrdreg $0xFFFFFFFF  }
0xc7: {  	_ =	task.clear_ibuf [dreg:s9], $0x2FFFF;
	_ =	strace $0x9FFFFFFF  }
0xc8: {  	(tm) =	ssettm $0x7FFFFFFF  }
0xc9: {  	_ =	shalt  }
tec
execute0_lowered:
.L_overlay_start_1:
0x0: {  	(tag) =	ssettag $0x1  }
0x1: {  	s7 =	rddreg [dreg:$0x0]  }
0x2: {  	s4 =	rddreg [dreg:$0x1]  }
0x3: {  	s5 =	rddreg [dreg:$0x2]  }
0x4: {  	s6 =	rddreg [dreg:$0x3]  }
0x5: {  	s8 =	rddreg [dreg:$0x4]  }
0x6: {  	s2 =	rddreg [dreg:$0x5]  }
0x7: {  	s0 =	rddreg [dreg:$0x6];
	s9 =	simm.s32 $0x0;
	s1 =	stileid.u32  }
0x8: {  	[smem:$0x7FF] =	sst s9;
	s3 =	sshll.u32 s1, $0x7  }
0x9: {  	s10 =	simm.s32 $0x400;
	_ =	strace $0x80000047;
	s4 =	sadd.s32 s4, s3  }
0xa: {  	[tilespmem:s10], [sflag:$0x1] =	stream.linear.gather [hbm4b:s4+s9], $0x400, $0x38;
	[tilespmem:$0x1800] =	vst v63  }
0xb: {  	s23 =	simm.s32 $0x800;
	s22 =	sadd.s32 s5, s3  }
0xc: {  	[tilespmem:s23], [sflag:$0x1] =	stream.linear.gather [hbm4b:s22+s9], $0x400, $0x38;
	[tilespmem:$0x1800] =	vst v63  }
0xd: {  	s25 =	simm.s32 $0xC00;
	s24 =	sadd.s32 s6, s3  }
0xe: {  	[tilespmem:s25], [sflag:$0x1] =	stream.linear.gather [hbm4b:s24+s9], $0x400, $0x38;
	[tilespmem:$0x1800] =	vst v63  }
0xf: {  	s28 =	simm.s32 $0x1000;
	s29 =	simm.s32 $0x1;
	s26 =	sadd.s32 s8, s3  }
0x10: {  	[tilespmem:s28], [sflag:$0x1] =	stream.linear.gather [hbm4b:s26+s9], $0x400, $0x38;
	[tilespmem:$0x1800] =	vst v63  }
0x11: {  	_ =	swait.ge [sflag:s29], $0x400  }
0x12: {  	[sflag:s29] =	ssyncset.done $0x0  }
0x13: {  	[sflag:s29] =	ssyncadd.s32 $0xFFFFFC00  }
0x14: {  	_ =	swait.ge [sflag:s29], $0x400  }
0x15: {  	[sflag:s29] =	ssyncset.done $0x0  }
0x16: {  	[sflag:s29] =	ssyncadd.s32 $0xFFFFFC00  }
0x17: {  	_ =	swait.ge [sflag:s29], $0x400  }
0x18: {  	[sflag:s29] =	ssyncset.done $0x0  }
0x19: {  	[sflag:s29] =	ssyncadd.s32 $0xFFFFFC00  }
0x1a: {  	_ =	swait.ge [sflag:s29], $0x400  }
0x1b: {  	[sflag:s29] =	ssyncset.done $0x0  }
0x1c: {  	s4 =	simm.s32 $0x440;
	[sflag:s29] =	ssyncadd.s32 $0xFFFFFC00  }
0x1d: {  	v0 =	vld [tilespmem:s4+$0xFFFFFFC0]  }
0x1e: {  	s5 =	simm.s32 $0x840  }
0x1f: {  	v1 =	vld [tilespmem:s5+$0xFFFFFFC0]  }
0x20: {  	s30 =	simm.s32 $0xC40  }
0x21: {  	v2 =	vld [tilespmem:s30+$0xFFFFFFC0]  }
0x22: {  	v0 =	vmul.u32 $0x3, v0  }
0x23: {  	s31 =	simm.s32 $0x1040  }
0x24: {  	v3 =	vld [tilespmem:s31+$0xFFFFFFC0];
	v0 =	vadd.s32 v1, v0  }
0x25: {  	v0 =	vshll.u32 v0, $0x3  }
0x26: {  	v0 =	vadd.s32 v2, v0  }
0x27: {  	v0 =	vmul.u32 $0xA, v0;
	_ =	sdelay $0x1  }
0x28: {  	s6 =	simm.s32 $0x40;
	v0 =	vadd.s32 v3, v0  }
0x29: {  	[tilespmem:s6+$0xFFFFFFC0] =	vst v0  }
0x2a: {  	v0 =	vld [tilespmem:s4+$0xFFFFFFD0];
	_ =	sdelay $0x1  }
0x2b: {  	v1 =	vld [tilespmem:s5+$0xFFFFFFD0];
	_ =	sdelay $0x1  }
0x2c: {  	v2 =	vld [tilespmem:s30+$0xFFFFFFD0]  }
0x2d: {  	v0 =	vmul.u32 $0x3, v0;
	_ =	sdelay $0x1  }
0x2e: {  	v3 =	vld [tilespmem:s31+$0xFFFFFFD0];
	v0 =	vadd.s32 v1, v0  }
0x2f: {  	v0 =	vshll.u32 v0, $0x3  }
0x30: {  	v0 =	vadd.s32 v2, v0  }
0x31: {  	v0 =	vmul.u32 $0xA, v0;
	_ =	sdelay $0x1  }
0x32: {  	v0 =	vadd.s32 v3, v0  }
0x33: {  	[tilespmem:s6+$0xFFFFFFD0] =	vst v0  }
0x34: {  	v0 =	vld [tilespmem:s4+$0xFFFFFFE0];
	_ =	sdelay $0x1  }
0x35: {  	v1 =	vld [tilespmem:s5+$0xFFFFFFE0];
	_ =	sdelay $0x1  }
0x36: {  	v2 =	vld [tilespmem:s30+$0xFFFFFFE0]  }
0x37: {  	v0 =	vmul.u32 $0x3, v0;
	_ =	sdelay $0x1  }
0x38: {  	v3 =	vld [tilespmem:s31+$0xFFFFFFE0];
	v0 =	vadd.s32 v1, v0  }
0x39: {  	v0 =	vshll.u32 v0, $0x3  }
0x3a: {  	v0 =	vadd.s32 v2, v0  }
0x3b: {  	v0 =	vmul.u32 $0xA, v0;
	_ =	sdelay $0x1  }
0x3c: {  	v0 =	vadd.s32 v3, v0  }
0x3d: {  	[tilespmem:s6+$0xFFFFFFE0] =	vst v0  }
0x3e: {  	v0 =	vld [tilespmem:s4+$0xFFFFFFF0];
	_ =	sdelay $0x1  }
0x3f: {  	v1 =	vld [tilespmem:s5+$0xFFFFFFF0];
	_ =	sdelay $0x1  }
0x40: {  	v2 =	vld [tilespmem:s30+$0xFFFFFFF0]  }
0x41: {  	v0 =	vmul.u32 $0x3, v0;
	_ =	sdelay $0x1  }
0x42: {  	v3 =	vld [tilespmem:s31+$0xFFFFFFF0];
	v0 =	vadd.s32 v1, v0  }
0x43: {  	v0 =	vshll.u32 v0, $0x3  }
0x44: {  	v0 =	vadd.s32 v2, v0  }
0x45: {  	v0 =	vmul.u32 $0xA, v0;
	_ =	sdelay $0x1  }
0x46: {  	v0 =	vadd.s32 v3, v0  }
0x47: {  	[tilespmem:s6+$0xFFFFFFF0] =	vst v0  }
0x48: {  	v0 =	vld [tilespmem:s4+$0x0];
	_ =	sdelay $0x1  }
0x49: {  	v1 =	vld [tilespmem:s5+$0x0];
	_ =	sdelay $0x1  }
0x4a: {  	v2 =	vld [tilespmem:s30+$0x0]  }
0x4b: {  	v0 =	vmul.u32 $0x3, v0;
	_ =	sdelay $0x1  }
0x4c: {  	v3 =	vld [tilespmem:s31+$0x0];
	v0 =	vadd.s32 v1, v0  }
0x4d: {  	v0 =	vshll.u32 v0, $0x3  }
0x4e: {  	v0 =	vadd.s32 v2, v0  }
0x4f: {  	v0 =	vmul.u32 $0xA, v0;
	_ =	sdelay $0x1  }
0x50: {  	v0 =	vadd.s32 v3, v0  }
0x51: {  	[tilespmem:s6+$0x0] =	vst v0  }
0x52: {  	v0 =	vld [tilespmem:s4+$0x10];
	_ =	sdelay $0x1  }
0x53: {  	v1 =	vld [tilespmem:s5+$0x10];
	_ =	sdelay $0x1  }
0x54: {  	v2 =	vld [tilespmem:s30+$0x10]  }
0x55: {  	v0 =	vmul.u32 $0x3, v0;
	_ =	sdelay $0x1  }
0x56: {  	v3 =	vld [tilespmem:s31+$0x10];
	v0 =	vadd.s32 v1, v0  }
0x57: {  	v0 =	vshll.u32 v0, $0x3  }
0x58: {  	v0 =	vadd.s32 v2, v0  }
0x59: {  	v0 =	vmul.u32 $0xA, v0;
	_ =	sdelay $0x1  }
0x5a: {  	v0 =	vadd.s32 v3, v0  }
0x5b: {  	[tilespmem:s6+$0x10] =	vst v0  }
0x5c: {  	v0 =	vld [tilespmem:s4+$0x20];
	_ =	sdelay $0x1  }
0x5d: {  	v1 =	vld [tilespmem:s5+$0x20];
	_ =	sdelay $0x1  }
0x5e: {  	v2 =	vld [tilespmem:s30+$0x20]  }
0x5f: {  	v0 =	vmul.u32 $0x3, v0;
	_ =	sdelay $0x1  }
0x60: {  	v3 =	vld [tilespmem:s31+$0x20];
	v0 =	vadd.s32 v1, v0  }
0x61: {  	v0 =	vshll.u32 v0, $0x3  }
0x62: {  	v0 =	vadd.s32 v2, v0  }
0x63: {  	v0 =	vmul.u32 $0xA, v0;
	_ =	sdelay $0x1  }
0x64: {  	v0 =	vadd.s32 v3, v0  }
0x65: {  	[tilespmem:s6+$0x20] =	vst v0  }
0x66: {  	v0 =	vld [tilespmem:s4+$0x30];
	_ =	sdelay $0x1  }
0x67: {  	v1 =	vld [tilespmem:s5+$0x30];
	_ =	sdelay $0x1  }
0x68: {  	v2 =	vld [tilespmem:s30+$0x30]  }
0x69: {  	v0 =	vmul.u32 $0x3, v0;
	_ =	sdelay $0x1  }
0x6a: {  	v3 =	vld [tilespmem:s31+$0x30];
	v0 =	vadd.s32 v1, v0  }
0x6b: {  	v0 =	vshll.u32 v0, $0x3  }
0x6c: {  	v0 =	vadd.s32 v2, v0  }
0x6d: {  	v0 =	vmul.u32 $0xA, v0  }
0x6e: {  	s11 =	simm.s32 $0xC0;
	s7 =	sadd.s32 $0x400, s7  }
0x6f: {  	s8 =	simm.s32 $0x0;
	s10 =	simm.s32 $0x10C0;
	s9 =	simm.s32 $0xCC0;
	v0 =	vadd.s32 v3, v0  }
.LBB2_1:
0x70: {  	s8 =	sadd.s32 $0x8, s8;
	[tilespmem:s6+$0x30] =	vst v0;
	s4 =	sadd.s32 $0x80, s4;
	s5 =	sadd.s32 $0x80, s5  }
0x71: {  	s6 =	smov.u32 s11;
	v0 =	vld [tilespmem:s4+$0xFFFFFFC0];
	p0 =	slt.u32 s8, $0x38;
	_ =	sdelay $0x1  }
0x72: {  	v1 =	vld [tilespmem:s5+$0xFFFFFFC0];
	_ =	sdelay $0x1  }
0x73: {  	v2 =	vld [tilespmem:s9+$0xFFFFFFC0]  }
0x74: {  	v0 =	vmul.u32 $0x3, v0;
	_ =	sdelay $0x1  }
0x75: {  	v3 =	vld [tilespmem:s10+$0xFFFFFFC0];
	v0 =	vadd.s32 v1, v0  }
0x76: {  	v0 =	vshll.u32 v0, $0x3  }
0x77: {  	v0 =	vadd.s32 v2, v0  }
0x78: {  	v0 =	vmul.u32 $0xA, v0;
	_ =	sdelay $0x1  }
0x79: {  	v0 =	vadd.s32 v3, v0  }
0x7a: {  	[tilespmem:s11+$0xFFFFFFC0] =	vst v0  }
0x7b: {  	v0 =	vld [tilespmem:s4+$0xFFFFFFD0];
	_ =	sdelay $0x1  }
0x7c: {  	v1 =	vld [tilespmem:s5+$0xFFFFFFD0];
	_ =	sdelay $0x1  }
0x7d: {  	v2 =	vld [tilespmem:s9+$0xFFFFFFD0]  }
0x7e: {  	v0 =	vmul.u32 $0x3, v0;
	_ =	sdelay $0x1  }
0x7f: {  	v3 =	vld [tilespmem:s10+$0xFFFFFFD0];
	v0 =	vadd.s32 v1, v0  }
0x80: {  	v0 =	vshll.u32 v0, $0x3  }
0x81: {  	v0 =	vadd.s32 v2, v0  }
0x82: {  	v0 =	vmul.u32 $0xA, v0;
	_ =	sdelay $0x1  }
0x83: {  	v0 =	vadd.s32 v3, v0  }
0x84: {  	[tilespmem:s11+$0xFFFFFFD0] =	vst v0  }
0x85: {  	v0 =	vld [tilespmem:s4+$0xFFFFFFE0];
	_ =	sdelay $0x1  }
0x86: {  	v1 =	vld [tilespmem:s5+$0xFFFFFFE0];
	_ =	sdelay $0x1  }
0x87: {  	v2 =	vld [tilespmem:s9+$0xFFFFFFE0]  }
0x88: {  	v0 =	vmul.u32 $0x3, v0;
	_ =	sdelay $0x1  }
0x89: {  	v3 =	vld [tilespmem:s10+$0xFFFFFFE0];
	v0 =	vadd.s32 v1, v0  }
0x8a: {  	v0 =	vshll.u32 v0, $0x3  }
0x8b: {  	v0 =	vadd.s32 v2, v0  }
0x8c: {  	v0 =	vmul.u32 $0xA, v0;
	_ =	sdelay $0x1  }
0x8d: {  	v0 =	vadd.s32 v3, v0  }
0x8e: {  	[tilespmem:s11+$0xFFFFFFE0] =	vst v0  }
0x8f: {  	v0 =	vld [tilespmem:s4+$0xFFFFFFF0];
	_ =	sdelay $0x1  }
0x90: {  	v1 =	vld [tilespmem:s5+$0xFFFFFFF0];
	_ =	sdelay $0x1  }
0x91: {  	v2 =	vld [tilespmem:s9+$0xFFFFFFF0]  }
0x92: {  	v0 =	vmul.u32 $0x3, v0;
	_ =	sdelay $0x1  }
0x93: {  	v3 =	vld [tilespmem:s10+$0xFFFFFFF0];
	v0 =	vadd.s32 v1, v0  }
0x94: {  	v0 =	vshll.u32 v0, $0x3  }
0x95: {  	v0 =	vadd.s32 v2, v0  }
0x96: {  	v0 =	vmul.u32 $0xA, v0;
	_ =	sdelay $0x1  }
0x97: {  	v0 =	vadd.s32 v3, v0  }
0x98: {  	[tilespmem:s11+$0xFFFFFFF0] =	vst v0  }
0x99: {  	v0 =	vld [tilespmem:s4+$0x0];
	_ =	sdelay $0x1  }
0x9a: {  	v1 =	vld [tilespmem:s5+$0x0];
	_ =	sdelay $0x1  }
0x9b: {  	v2 =	vld [tilespmem:s9+$0x0]  }
0x9c: {  	v0 =	vmul.u32 $0x3, v0;
	_ =	sdelay $0x1  }
0x9d: {  	v3 =	vld [tilespmem:s10+$0x0];
	v0 =	vadd.s32 v1, v0  }
0x9e: {  	v0 =	vshll.u32 v0, $0x3  }
0x9f: {  	v0 =	vadd.s32 v2, v0  }
0xa0: {  	v0 =	vmul.u32 $0xA, v0;
	_ =	sdelay $0x1  }
0xa1: {  	v0 =	vadd.s32 v3, v0  }
0xa2: {  	[tilespmem:s11+$0x0] =	vst v0  }
0xa3: {  	v0 =	vld [tilespmem:s4+$0x10]  }
0xa4: {  	v1 =	vld [tilespmem:s5+$0x10]  }
0xa5: {  	v2 =	vld [tilespmem:s9+$0x10]  }
0xa6: {  	v3 =	vld [tilespmem:s10+$0x10];
	_ =	sdelay $0x1  }
0xa7: {  	v0 =	vmul.u32 $0x3, v0;
	_ =	sdelay $0x1  }
0xa8: {  	v0 =	vadd.s32 v1, v0  }
0xa9: {  	v0 =	vshll.u32 v0, $0x3  }
0xaa: {  	v0 =	vadd.s32 v2, v0  }
0xab: {  	v0 =	vmul.u32 $0xA, v0;
	_ =	sdelay $0x1  }
0xac: {  	v0 =	vadd.s32 v3, v0  }
0xad: {  	[tilespmem:s11+$0x10] =	vst v0  }
0xae: {  	v0 =	vld [tilespmem:s4+$0x20]  }
0xaf: {  	v1 =	vld [tilespmem:s5+$0x20]  }
0xb0: {  	v2 =	vld [tilespmem:s9+$0x20]  }
0xb1: {  	v3 =	vld [tilespmem:s10+$0x20];
	_ =	sdelay $0x1  }
0xb2: {  	v0 =	vmul.u32 $0x3, v0;
	_ =	sdelay $0x1  }
0xb3: {  	v0 =	vadd.s32 v1, v0  }
0xb4: {  	v0 =	vshll.u32 v0, $0x3  }
0xb5: {  	v0 =	vadd.s32 v2, v0  }
0xb6: {  	v0 =	vmul.u32 $0xA, v0;
	_ =	sdelay $0x1  }
0xb7: {  	v0 =	vadd.s32 v3, v0  }
0xb8: {  	[tilespmem:s11+$0x20] =	vst v0  }
0xb9: {  	v0 =	vld [tilespmem:s4+$0x30]  }
0xba: {  	v1 =	vld [tilespmem:s5+$0x30]  }
0xbb: {  	v2 =	vld [tilespmem:s9+$0x30]  }
0xbc: {  	v3 =	vld [tilespmem:s10+$0x30];
	_ =	sdelay $0x1  }
0xbd: {  	v0 =	vmul.u32 $0x3, v0;
	_ =	sdelay $0x1  }
0xbe: {  	v0 =	vadd.s32 v1, v0  }
.Ltmp0:
0xbf: {  	v0 =	vshll.u32 v0, $0x3;
	(pc) =	sbr.rel @p0 .LBB2_1-.Ltmp0, $3  }
0xc0: {  	v0 =	vadd.s32 v2, v0  }
0xc1: {  	v0 =	vmul.u32 $0xA, v0;
	_ =	sdelay $0x1  }
0xc2: {  	s11 =	sadd.s32 $0x80, s11;
	s9 =	sadd.s32 $0x80, s9;
	s10 =	sadd.s32 $0x80, s10;
	v0 =	vadd.s32 v3, v0  }
0xc3: {  	s4 =	simm.s32 $0x400  }
0xc4: {  	[tilespmem:s6+$0x30] =	vst v0;
	s5 =	simm.s32 $0x0;
	s29 =	simm.s32 $0x1400;
	s30 =	simm.s32 $0x1  }
0xc5: {  	[tilespmem:s29], [sflag:$0x1] =	stream.indirect.gather [hbm4b:s7+s4], $0x1, s5, s4, $0xb8;
	[tilespmem:$0x1800] =	vst v63  }
0xc6: {  	_ =	swait.ge [sflag:s30], $0x400  }
0xc7: {  	[sflag:s30] =	ssyncset.done $0x0  }
0xc8: {  	s2 =	sadd.s32 s2, s3;
	s31 =	simm.s32 $0x2;
	[sflag:s30] =	ssyncadd.s32 $0xFFFFFC00  }
0xc9: {  	[hbm4b:s2+s5] =	stream.linear.scatter [tilespmem:s29], [sflag:$0x2], $0x400, $0x38;
	[tilespmem:$0x1800] =	vst v63  }
0xca: {  	_ =	swait.ge [sflag:s31], $0x400  }
0xcb: {  	[sflag:s31] =	ssyncset.done $0x0  }
0xcc: {  	[sflag:s31] =	ssyncadd.s32 $0xFFFFFC00  }
0xcd: {  	_ =	sfence.sel $0x180000  }
0xce: {  	[bflag:$0x0] =	sbarrier.arrive $0xFFFF  }
0xcf: {  	p0 =	sne.s32 s1, $0x0;
	_ =	strace $0x90000047  }
0xd0: {  	s0 =	sadd.s32 @!p0 $0x100000, s0;
	[bflag:$0x2] =	sbarrier.arrive $0xFFFF  }
0xd1: {  	[sflag:s0] =	ssyncadd.tile.s32 @!p0 $0x1;
	_ =	shalt  }
.Lfunc_end2:
_tile_overlayer_lowered:
.L_overlay_start_2:
0xd2: {  	(tag) =	ssettag $0x2  }
0xd3: {  	s0 =	rddreg [dreg:$0x0];
	s2 =	stileid.u32  }
0xd4: {  	s1 =	rddreg [dreg:$0x1];
	p0 =	sne.s32 s2, $0x0  }
0xd5: {  	s3 =	rddreg [dreg:$0x2];
	[bflag:$0x3] =	sbarrier.arrive $0xFFFF;
	s2 =	simm.s32 @!p0 $0x1C02  }
0xd6: {  	[timem:s3], [sflag:s2] =	dma.local @!p0 [hbm:s0], s1  }
0xd7: {  	s0 =	simm.s32 @!p0 $0x2  }
0xd8: {  	_ =	swait.ge @!p0 [sflag:s0], s1  }
0xd9: {  	s1 =	ssub.s32 @!p0 $0x0, s1;
	[sflag:s0] =	ssyncset.done @!p0 $0x0  }
0xda: {  	[sflag:s0] =	ssyncadd.s32 @!p0 s1  }
0xdb: {  	[bflag:$0x3] =	sbarrier.arrive $0xFFFF  }
0xdc: {  	_ =	shalt  }

</sc_bundles>
